<compile_context>
chip_gen: v7x
topology: tpu7x:2x2x1
jax: 0.10.2.dev20260603
libtpu: 0.0.44.dev20260713+nightly
codegen_flags: <defaults>
</compile_context>

<pallas_src>
import jax
import jax.numpy as jnp
from jax import lax
from jax.experimental import pallas as pl
from jax.experimental.pallas import tpu as pltpu
from jax.experimental.pallas import tpu_sc as plsc

N_NODES = 10000
N_EDGES = 320000
DIM = 128
EDIM = 6

NC, NS = 2, 16
NW = NC * NS
EDGES_PER_W = N_EDGES // NW
CHUNK = 80
N_CHUNKS = EDGES_PER_W // CHUNK


def _sc_mesh():
    return plsc.VectorSubcoreMesh(
        core_axis_name="c", subcore_axis_name="s",
        num_cores=NC, num_subcores=NS)


def _support_body(x_ref, w_ref, o_ref):
    o_ref[...] = jnp.dot(x_ref[...], w_ref[...],
                         preferred_element_type=jnp.float32)


def _support(X, W):
    blk = 2000
    return pl.pallas_call(
        _support_body,
        grid=(N_NODES // blk,),
        in_specs=[pl.BlockSpec((blk, DIM), lambda i: (i, 0)),
                  pl.BlockSpec((DIM, DIM), lambda i: (0, 0))],
        out_specs=pl.BlockSpec((blk, DIM), lambda i: (i, 0)),
        out_shape=jax.ShapeDtypeStruct((N_NODES, DIM), jnp.float32),
    )(X, W)


def _gather_body(sup_hbm, src_hbm, out_hbm, idx_v, rows_v, sem):
    cid = lax.axis_index("c")
    sid = lax.axis_index("s")
    base = (cid * NS + sid) * EDGES_PER_W

    def step(j, carry):
        off = base + j * CHUNK
        pltpu.sync_copy(src_hbm.at[pl.ds(off, CHUNK)], idx_v)
        pltpu.async_copy(sup_hbm.at[idx_v], rows_v, sem).wait()
        pltpu.sync_copy(rows_v, out_hbm.at[pl.ds(off, CHUNK)])
        return carry

    lax.fori_loop(0, N_CHUNKS, step, 0)


def _gather(support, src):
    return pl.kernel(
        _gather_body,
        out_type=jax.ShapeDtypeStruct((N_EDGES, DIM), jnp.float32),
        mesh=_sc_mesh(),
        scratch_types=[pltpu.VMEM((CHUNK,), jnp.int32),
                       pltpu.VMEM((CHUNK, DIM), jnp.float32),
                       pltpu.SemaphoreType.DMA],
    )(support, src)


def _edge_body(g_ref, ea_ref, w1e_ref, b1e_ref, w2e_ref, b2e_ref,
               w1sm_ref, w1sd_ref, b1s_ref, w2s_ref, b2s_ref, o_ref):
    ea = ea_ref[...]
    h = jnp.maximum(jnp.dot(ea, w1e_ref[...],
                            preferred_element_type=jnp.float32)
                    + b1e_ref[...], 0.0)
    ef = jnp.dot(h, w2e_ref[...],
                 preferred_element_type=jnp.float32) + b2e_ref[...]
    m = g_ref[...] * ef * (ea[:, 0:1] * ea[:, 1:2])
    hs = (jnp.dot(m, w1sm_ref[...], preferred_element_type=jnp.float32)
          + jnp.dot(ea[:, 2:5], w1sd_ref[...],
                    preferred_element_type=jnp.float32)
          + b1s_ref[...])
    hs = jnp.maximum(hs, 0.0)
    m2 = jnp.dot(hs, w2s_ref[...],
                 preferred_element_type=jnp.float32) + b2s_ref[...]
    o_ref[...] = m2.astype(jnp.bfloat16)


def _edge_chain(g, edge_attr, W1e, b1e, W2e, b2e, W1sm, W1sd, b1s, W2s, b2s):
    blk = 2000
    full = lambda shape: pl.BlockSpec(shape, lambda i: tuple(0 for _ in shape))
    return pl.pallas_call(
        _edge_body,
        grid=(N_EDGES // blk,),
        in_specs=[pl.BlockSpec((blk, DIM), lambda i: (i, 0)),
                  pl.BlockSpec((blk, EDIM), lambda i: (i, 0)),
                  full((EDIM, DIM)), full((1, DIM)),
                  full((DIM, DIM)), full((1, DIM)),
                  full((DIM, DIM)), full((3, DIM)), full((1, DIM)),
                  full((DIM, DIM)), full((1, DIM))],
        out_specs=pl.BlockSpec((blk, DIM), lambda i: (i, 0)),
        out_shape=jax.ShapeDtypeStruct((N_EDGES, DIM), jnp.bfloat16),
    )(g, edge_attr, W1e, b1e, W2e, b2e, W1sm, W1sd, b1s, W2s, b2s)


NB = 2000
EB = 4000


def _tc_scatter_body(tgt_ref, m2_ref, sums_ref, cnt_ref):
    e = pl.program_id(1)

    @pl.when(e == 0)
    def _():
        sums_ref[...] = jnp.zeros_like(sums_ref)
        cnt_ref[...] = jnp.zeros_like(cnt_ref)

    n = pl.program_id(0)
    tgt = tgt_ref[0, 0]
    cols = n * NB + jax.lax.broadcasted_iota(jnp.int32, (EB, NB), 1)
    oh = (tgt[:, None] == cols).astype(jnp.bfloat16)
    dn = (((0,), (0,)), ((), ()))
    sums_ref[...] += jax.lax.dot_general(
        oh, m2_ref[...], dn, preferred_element_type=jnp.float32)
    cnt_ref[...] += jax.lax.dot_general(
        oh, jnp.ones((EB, 8), jnp.bfloat16), dn,
        preferred_element_type=jnp.float32)


def _scatter(m2, tgt):
    tgt2 = tgt.reshape(N_EDGES // EB, 1, EB)
    return pl.pallas_call(
        _tc_scatter_body,
        grid=(N_NODES // NB, N_EDGES // EB),
        in_specs=[pl.BlockSpec((1, 1, EB), lambda n, e: (e, 0, 0)),
                  pl.BlockSpec((EB, DIM), lambda n, e: (e, 0))],
        out_specs=[pl.BlockSpec((NB, DIM), lambda n, e: (n, 0)),
                   pl.BlockSpec((NB, 8), lambda n, e: (n, 0))],
        out_shape=(jax.ShapeDtypeStruct((N_NODES, DIM), jnp.float32),
                   jax.ShapeDtypeStruct((N_NODES, 8), jnp.float32)),
    )(tgt2, m2)


def _final_body(p_ref, d_ref, b_ref, o_ref):
    deg = jnp.maximum(d_ref[:, 0:1], 1.0)
    o_ref[...] = jnp.maximum(p_ref[...] / deg + b_ref[...], 0.0)


def _finalize(parts, degs, bias):
    blk = 2000
    return pl.pallas_call(
        _final_body,
        grid=(N_NODES // blk,),
        in_specs=[pl.BlockSpec((blk, DIM), lambda i: (i, 0)),
                  pl.BlockSpec((blk, 8), lambda i: (i, 0)),
                  pl.BlockSpec((1, DIM), lambda i: (0, 0))],
        out_specs=pl.BlockSpec((blk, DIM), lambda i: (i, 0)),
        out_shape=jax.ShapeDtypeStruct((N_NODES, DIM), jnp.float32),
    )(parts, degs, bias)


def kernel(X, edge_index, edge_attr, W, bias,
           W1e, b1e, W2e, b2e, W1s, b1s, W2s, b2s):
    src = edge_index[0]
    tgt = edge_index[1]
    support = _support(X, W)
    g = _gather(support, src)
    m2 = _edge_chain(g, edge_attr,
                     W1e, b1e.reshape(1, DIM), W2e, b2e.reshape(1, DIM),
                     W1s[:DIM], W1s[DIM:], b1s.reshape(1, DIM),
                     W2s, b2s.reshape(1, DIM))
    sums, cnt = _scatter(m2, tgt)
    return _finalize(sums, cnt, bias.reshape(1, DIM))

# --- scband reference (transcript-rebuilt; emitter-appended) ---
"""Pipeline reference for scband-sparse-graph-convolution-59725815218645 (READ-ONLY COPY).

The authoritative reference and input builder live on the scoring server;
editing this copy changes nothing except your own understanding.
"""

import jax, jax.numpy as jnp
import numpy as np

N, E, D, ED = 10000, 320000, 128, 6

def _linear_init(key, fan_in, fan_out):
    scale = np.sqrt(2.0 / (fan_in + fan_out)).astype(np.float32)
    return jax.random.normal(key, (fan_in, fan_out), jnp.float32) * scale

def setup_inputs(seed: int = 0) -> dict:
    key = jax.random.key(seed)
    ks = jax.random.split(key, 10)
    X = jax.random.normal(ks[0], (N, D), jnp.float32)
    edge_index = jax.random.randint(ks[1], (2, E), 0, N, jnp.int32)
    edge_attr = jax.random.uniform(ks[2], (E, ED), jnp.float32)
    W = _linear_init(ks[3], D, D)
    bias = jnp.zeros((D,), jnp.float32)
    W1e = _linear_init(ks[4], ED, D)
    b1e = jnp.zeros((D,), jnp.float32)
    W2e = _linear_init(ks[5], D, D)
    b2e = jnp.zeros((D,), jnp.float32)
    W1s = _linear_init(ks[6], D + 3, D)
    b1s = jnp.zeros((D,), jnp.float32)
    W2s = _linear_init(ks[7], D, D)
    b2s = jnp.zeros((D,), jnp.float32)
    return {"X": X, "edge_index": edge_index, "edge_attr": edge_attr,
            "W": W, "bias": bias, "W1e": W1e, "b1e": b1e, "W2e": W2e, "b2e": b2e,
            "W1s": W1s, "b1s": b1s, "W2s": W2s, "b2s": b2s}

def reference(X, edge_index, edge_attr, W, bias, W1e, b1e, W2e, b2e, W1s, b1s, W2s, b2s):
    support = X @ W
    src = edge_index[0]
    tgt = edge_index[1]
    dist = edge_attr[:, 0:1]
    sim = edge_attr[:, 1:2]
    dirvec = edge_attr[:, 2:5]
    # edge_encoder: Linear -> ReLU -> Linear
    h = jax.nn.relu(edge_attr @ W1e + b1e)
    edge_feat = h @ W2e + b2e
    m = jnp.take(support, src, axis=0) * edge_feat
    m = m * sim * dist
    # scale_mlp over concat([m, dirvec])
    hs = jax.nn.relu(jnp.concatenate([m, dirvec], axis=1) @ W1s + b1s)
    m = hs @ W2s + b2s
    out = jnp.zeros((N, m.shape[1]), m.dtype).at[tgt].add(m)
    deg = jnp.clip(jnp.bincount(tgt, length=N), 1, None).astype(m.dtype)[:, None]
    out = out / deg
    out = out + bias
    return jax.nn.relu(out)

if __name__ == "__main__":
    import jax
    _d = setup_inputs()
    print(jax.jit(kernel)(*tuple(_d.values())))

</pallas_src>

<mosaic_0001>
#map = affine_map<(d0, d1) -> (0, 0)>
#map1 = affine_map<(d0, d1) -> (0)>
module attributes {stable_mosaic.version = 14 : i64} {
  func.func @_gather_body(%arg0: i32, %arg1: i32, %arg2: memref<10000x128xf32, #tpu.memory_space<hbm>>, %arg3: memref<320000xi32, #tpu.memory_space<hbm>>, %arg4: memref<320000x128xf32, #tpu.memory_space<hbm>>, %arg5: memref<80xi32, #tpu.memory_space<vmem>>, %arg6: memref<80x128xf32, #tpu.memory_space<vmem>>, %arg7: memref<!tpu.dma_semaphore, #tpu.memory_space<semaphore_mem>>) attributes {dimension_semantics = [#tpu.dimension_semantics<core_parallel>, #tpu.dimension_semantics<subcore_parallel>], iteration_bounds = array<i64: 2, 16>, scalar_prefetch = 0 : i64, scratch_operands = 3 : i64, tpu.core_type = #tpu.core_type<sc_vector_subcore>, window_params = [{transform_indices = #map}, {transform_indices = #map1}, {transform_indices = #map}]} {
    %mul3A = arith.constant 16 : i32
    %mul3A_0 = arith.muli %arg0, %mul3A : i32
    %add3A = arith.addi %mul3A_0, %arg1 : i32
    %mul3A_1 = arith.constant 10000 : i32
    %mul3A_2 = arith.muli %add3A, %mul3A_1 : i32
    %scan3A = arith.constant 0 : i32
    %scan3A_3 = arith.constant 0 : i32
    %scan3A_4 = arith.constant 125 : i32
    %scan3A_5 = arith.addi %scan3A_3, %scan3A_4 : i32
    %scan3A_6 = arith.constant 1 : i32
    scf.for %scan3A_8 = %scan3A_3 to %scan3A_5 step %scan3A_6  : i32 {
      %mul3A_9 = arith.constant 80 : i32
      %mul3A_10 = arith.muli %scan3A_8, %mul3A_9 : i32
      %add3A_11 = arith.addi %mul3A_2, %mul3A_10 : i32
      "tpu.region"() ({
        %run_scoped3A = tpu.sem_alloc : memref<!tpu.dma_semaphore, #tpu.memory_space<semaphore_mem>>
        %dma_start3A_16 = tpu.memref_slice %arg3[%add3A_11] : memref<320000xi32, #tpu.memory_space<hbm>> -> memref<80xi32, #tpu.memory_space<hbm>>
        %dma_start3A_17 = tpu.memref_slice %arg3[%add3A_11] : memref<320000xi32, #tpu.memory_space<hbm>> -> memref<80xi32, #tpu.memory_space<hbm>>
        tpu.enqueue_dma source(%dma_start3A_17 : memref<80xi32, #tpu.memory_space<hbm>>) target(%arg5 : memref<80xi32, #tpu.memory_space<vmem>>) target_semaphore(%run_scoped3A : memref<!tpu.dma_semaphore, #tpu.memory_space<semaphore_mem>>)
        %dma_wait3A_18 = tpu.memref_slice %arg3[%add3A_11] : memref<320000xi32, #tpu.memory_space<hbm>> -> memref<80xi32, #tpu.memory_space<hbm>>
        %dma_wait3A_19 = tpu.memref_slice %arg3[%add3A_11] : memref<320000xi32, #tpu.memory_space<hbm>> -> memref<80xi32, #tpu.memory_space<hbm>>
        tpu.wait_dma2 semaphore(%run_scoped3A : memref<!tpu.dma_semaphore, #tpu.memory_space<semaphore_mem>>) src(%dma_wait3A_19 : memref<80xi32, #tpu.memory_space<hbm>>) dst(%arg5 : memref<80xi32, #tpu.memory_space<vmem>>)
        tpu.yield
      }) : () -> ()
      %dma_start3A = arith.constant 0 : i32
      %dma_start3A_12 = arith.constant 0 : i32
      %dma_start3A_13 = tpu.memref_slice %arg2[%dma_start3A, %dma_start3A_12] : memref<10000x128xf32, #tpu.memory_space<hbm>> -> memref<10000x128xf32, #tpu.memory_space<hbm>>
      tpu.enqueue_indirect_dma source(%dma_start3A_13 : memref<10000x128xf32, #tpu.memory_space<hbm>>) target(%arg6 : memref<80x128xf32, #tpu.memory_space<vmem>>) offsets(%arg5 : memref<80xi32, #tpu.memory_space<vmem>>) semaphore(%arg7 : memref<!tpu.dma_semaphore, #tpu.memory_space<semaphore_mem>>)
      %dma_wait3A = arith.constant 0 : i32
      %dma_wait3A_14 = arith.constant 0 : i32
      %dma_wait3A_15 = tpu.memref_slice %arg2[%dma_wait3A, %dma_wait3A_14] : memref<10000x128xf32, #tpu.memory_space<hbm>> -> memref<10000x128xf32, #tpu.memory_space<hbm>>
      tpu.wait_indirect_dma semaphore(%arg7 : memref<!tpu.dma_semaphore, #tpu.memory_space<semaphore_mem>>) src(%dma_wait3A_15 : memref<10000x128xf32, #tpu.memory_space<hbm>>) dst(%arg6 : memref<80x128xf32, #tpu.memory_space<vmem>>)
      "tpu.region"() ({
        %run_scoped3A = tpu.sem_alloc : memref<!tpu.dma_semaphore, #tpu.memory_space<semaphore_mem>>
        %dma_start3A_16 = arith.constant 0 : i32
        %dma_start3A_17 = tpu.memref_slice %arg4[%add3A_11, %dma_start3A_16] : memref<320000x128xf32, #tpu.memory_space<hbm>> -> memref<80x128xf32, #tpu.memory_space<hbm>>
        %dma_start3A_18 = arith.constant 0 : i32
        %dma_start3A_19 = tpu.memref_slice %arg4[%add3A_11, %dma_start3A_18] : memref<320000x128xf32, #tpu.memory_space<hbm>> -> memref<80x128xf32, #tpu.memory_space<hbm>>
        tpu.enqueue_dma source(%arg6 : memref<80x128xf32, #tpu.memory_space<vmem>>) target(%dma_start3A_19 : memref<80x128xf32, #tpu.memory_space<hbm>>) target_semaphore(%run_scoped3A : memref<!tpu.dma_semaphore, #tpu.memory_space<semaphore_mem>>)
        %dma_wait3A_20 = arith.constant 0 : i32
        %dma_wait3A_21 = tpu.memref_slice %arg4[%add3A_11, %dma_wait3A_20] : memref<320000x128xf32, #tpu.memory_space<hbm>> -> memref<80x128xf32, #tpu.memory_space<hbm>>
        %dma_wait3A_22 = arith.constant 0 : i32
        %dma_wait3A_23 = tpu.memref_slice %arg4[%add3A_11, %dma_wait3A_22] : memref<320000x128xf32, #tpu.memory_space<hbm>> -> memref<80x128xf32, #tpu.memory_space<hbm>>
        tpu.wait_dma2 semaphore(%run_scoped3A : memref<!tpu.dma_semaphore, #tpu.memory_space<semaphore_mem>>) src(%arg6 : memref<80x128xf32, #tpu.memory_space<vmem>>) dst(%dma_wait3A_23 : memref<80x128xf32, #tpu.memory_space<hbm>>)
        tpu.yield
      }) : () -> ()
    }
    %scan3A_7 = arith.constant 125 : i32
    return
  }
}

module attributes {stable_mosaic.version = 14 : i64} {
  func.func @_support_body(%arg0: i32, %arg1: memref<2000x128xf32, #tpu.memory_space<vmem>>, %arg2: memref<128x128xf32, #tpu.memory_space<vmem>>, %arg3: memref<2000x128xf32, #tpu.memory_space<vmem>>) attributes {dimension_semantics = [#tpu.dimension_semantics<arbitrary>], iteration_bounds = array<i64: 5>, scalar_prefetch = 0 : i64, scratch_operands = 0 : i64, tpu.core_type = #tpu.core_type<tc>, window_params = [{transform_indices = @transform_0, window_bounds = array<i64: 2000, 128>}, {pipeline_mode = #tpu.pipeline_mode<synchronous>, transform_indices = @transform_1, window_bounds = array<i64: 128, 128>}, {transform_indices = @transform_2, window_bounds = array<i64: 2000, 128>}]} {
    %get3A = arith.constant 0 : index
    %get3A_0 = arith.constant 0 : index
    %get3A_1 = vector.load %arg1[%get3A, %get3A_0] : memref<2000x128xf32, #tpu.memory_space<vmem>>, vector<2000x128xf32>
    %get3A_2 = arith.constant 0 : index
    %get3A_3 = arith.constant 0 : index
    %get3A_4 = vector.load %arg2[%get3A_2, %get3A_3] : memref<128x128xf32, #tpu.memory_space<vmem>>, vector<128x128xf32>
    %dot_general3A = arith.constant dense<0.000000e+00> : vector<2000x128xf32>
    %dot_general3A_5 = tpu.matmul %get3A_1, %get3A_4, %dot_general3A {dimension_numbers = #tpu.dot_dimension_numbers<[1], [0], [0], [1], [0, 0, 1, 1], [], []>, transpose_lhs_hint = false} : vector<2000x128xf32>, vector<128x128xf32>, vector<2000x128xf32> -> vector<2000x128xf32>
    %swap3A = arith.constant 0 : index
    %swap3A_6 = arith.constant 0 : index
    %swap3A_7 = vector.load %arg3[%swap3A, %swap3A_6] : memref<2000x128xf32, #tpu.memory_space<vmem>>, vector<2000x128xf32>
    tpu.vector_store %arg3[%swap3A, %swap3A_6], %dot_general3A_5 {strides = array<i32>} : memref<2000x128xf32, #tpu.memory_space<vmem>>, vector<2000x128xf32>,
    return
  }
  func.func @transform_0(%arg0: i32) -> (i32, i32) {
    %c0_i32 = arith.constant 0 : i32
    %c0_i32_0 = arith.constant 0 : i32
    return %arg0, %c0_i32 : i32, i32
  }
  func.func @transform_1(%arg0: i32) -> (i32, i32) {
    %c0_i32 = arith.constant 0 : i32
    %c0_i32_0 = arith.constant 0 : i32
    %c0_i32_1 = arith.constant 0 : i32
    return %c0_i32, %c0_i32_0 : i32, i32
  }
  func.func @transform_2(%arg0: i32) -> (i32, i32) {
    %c0_i32 = arith.constant 0 : i32
    %c0_i32_0 = arith.constant 0 : i32
    return %arg0, %c0_i32 : i32, i32
  }
}

module attributes {stable_mosaic.version = 14 : i64} {
  func.func @_edge_body(%arg0: i32, %arg1: memref<2000x128xf32, #tpu.memory_space<vmem>>, %arg2: memref<2000x6xf32, #tpu.memory_space<vmem>>, %arg3: memref<6x128xf32, #tpu.memory_space<vmem>>, %arg4: memref<1x128xf32, #tpu.memory_space<vmem>>, %arg5: memref<128x128xf32, #tpu.memory_space<vmem>>, %arg6: memref<1x128xf32, #tpu.memory_space<vmem>>, %arg7: memref<128x128xf32, #tpu.memory_space<vmem>>, %arg8: memref<3x128xf32, #tpu.memory_space<vmem>>, %arg9: memref<1x128xf32, #tpu.memory_space<vmem>>, %arg10: memref<128x128xf32, #tpu.memory_space<vmem>>, %arg11: memref<1x128xf32, #tpu.memory_space<vmem>>, %arg12: memref<2000x128xbf16, #tpu.memory_space<vmem>>) attributes {dimension_semantics = [#tpu.dimension_semantics<arbitrary>], iteration_bounds = array<i64: 160>, scalar_prefetch = 0 : i64, scratch_operands = 0 : i64, tpu.core_type = #tpu.core_type<tc>, window_params = [{transform_indices = @transform_0, window_bounds = array<i64: 2000, 128>}, {transform_indices = @transform_1, window_bounds = array<i64: 2000, 6>}, {pipeline_mode = #tpu.pipeline_mode<synchronous>, transform_indices = @transform_2, window_bounds = array<i64: 6, 128>}, {pipeline_mode = #tpu.pipeline_mode<synchronous>, transform_indices = @transform_3, window_bounds = array<i64: 1, 128>}, {pipeline_mode = #tpu.pipeline_mode<synchronous>, transform_indices = @transform_4, window_bounds = array<i64: 128, 128>}, {pipeline_mode = #tpu.pipeline_mode<synchronous>, transform_indices = @transform_5, window_bounds = array<i64: 1, 128>}, {pipeline_mode = #tpu.pipeline_mode<synchronous>, transform_indices = @transform_6, window_bounds = array<i64: 128, 128>}, {pipeline_mode = #tpu.pipeline_mode<synchronous>, transform_indices = @transform_7, window_bounds = array<i64: 3, 128>}, {pipeline_mode = #tpu.pipeline_mode<synchronous>, transform_indices = @transform_8, window_bounds = array<i64: 1, 128>}, {pipeline_mode = #tpu.pipeline_mode<synchronous>, transform_indices = @transform_9, window_bounds = array<i64: 128, 128>}, {pipeline_mode = #tpu.pipeline_mode<synchronous>, transform_indices = @transform_10, window_bounds = array<i64: 1, 128>}, {transform_indices = @transform_11, window_bounds = array<i64: 2000, 128>}]} {
    %get3A = arith.constant 0 : index
    %get3A_0 = arith.constant 0 : index
    %get3A_1 = vector.load %arg2[%get3A, %get3A_0] : memref<2000x6xf32, #tpu.memory_space<vmem>>, vector<2000x6xf32>
    %get3A_2 = arith.constant 0 : index
    %get3A_3 = arith.constant 0 : index
    %get3A_4 = vector.load %arg3[%get3A_2, %get3A_3] : memref<6x128xf32, #tpu.memory_space<vmem>>, vector<6x128xf32>
    %dot_general3A = arith.constant dense<0.000000e+00> : vector<2000x128xf32>
    %dot_general3A_5 = tpu.matmul %get3A_1, %get3A_4, %dot_general3A {dimension_numbers = #tpu.dot_dimension_numbers<[1], [0], [0], [1], [0, 0, 1, 1], [], []>, transpose_lhs_hint = false} : vector<2000x6xf32>, vector<6x128xf32>, vector<2000x128xf32> -> vector<2000x128xf32>
    %get3A_6 = arith.constant 0 : index
    %get3A_7 = arith.constant 0 : index
    %get3A_8 = vector.load %arg4[%get3A_6, %get3A_7] : memref<1x128xf32, #tpu.memory_space<vmem>>, vector<1x128xf32>
    %add3A = vector.broadcast %get3A_8 : vector<1x128xf32> to vector<2000x128xf32>
    %add3A_9 = arith.addf %dot_general3A_5, %add3A : vector<2000x128xf32>
    %max3A = arith.constant 0.000000e+00 : f32
    %max3A_10 = vector.broadcast %max3A : f32 to vector<2000x128xf32>
    %max3A_11 = arith.maximumf %add3A_9, %max3A_10 : vector<2000x128xf32>
    %get3A_12 = arith.constant 0 : index
    %get3A_13 = arith.constant 0 : index
    %get3A_14 = vector.load %arg5[%get3A_12, %get3A_13] : memref<128x128xf32, #tpu.memory_space<vmem>>, vector<128x128xf32>
    %dot_general3A_15 = arith.constant dense<0.000000e+00> : vector<2000x128xf32>
    %dot_general3A_16 = tpu.matmul %max3A_11, %get3A_14, %dot_general3A_15 {dimension_numbers = #tpu.dot_dimension_numbers<[1], [0], [0], [1], [0, 0, 1, 1], [], []>, transpose_lhs_hint = false} : vector<2000x128xf32>, vector<128x128xf32>, vector<2000x128xf32> -> vector<2000x128xf32>
    %get3A_17 = arith.constant 0 : index
    %get3A_18 = arith.constant 0 : index
    %get3A_19 = vector.load %arg6[%get3A_17, %get3A_18] : memref<1x128xf32, #tpu.memory_space<vmem>>, vector<1x128xf32>
    %add3A_20 = vector.broadcast %get3A_19 : vector<1x128xf32> to vector<2000x128xf32>
    %add3A_21 = arith.addf %dot_general3A_16, %add3A_20 : vector<2000x128xf32>
    %get3A_22 = arith.constant 0 : index
    %get3A_23 = arith.constant 0 : index
    %get3A_24 = vector.load %arg1[%get3A_22, %get3A_23] : memref<2000x128xf32, #tpu.memory_space<vmem>>, vector<2000x128xf32>
    %mul3A = arith.mulf %get3A_24, %add3A_21 : vector<2000x128xf32>
    %slice3A = vector.extract_strided_slice %get3A_1 {offsets = [0, 0], sizes = [2000, 1], strides = [1, 1]} : vector<2000x6xf32> to vector<2000x1xf32>
    %slice3A_25 = vector.extract_strided_slice %get3A_1 {offsets = [0, 1], sizes = [2000, 1], strides = [1, 1]} : vector<2000x6xf32> to vector<2000x1xf32>
    %mul3A_26 = arith.mulf %slice3A, %slice3A_25 : vector<2000x1xf32>
    %mul3A_27 = vector.broadcast %mul3A_26 : vector<2000x1xf32> to vector<2000x128xf32>
    %mul3A_28 = arith.mulf %mul3A, %mul3A_27 : vector<2000x128xf32>
    %get3A_29 = arith.constant 0 : index
    %get3A_30 = arith.constant 0 : index
    %get3A_31 = vector.load %arg7[%get3A_29, %get3A_30] : memref<128x128xf32, #tpu.memory_space<vmem>>, vector<128x128xf32>
    %dot_general3A_32 = arith.constant dense<0.000000e+00> : vector<2000x128xf32>
    %dot_general3A_33 = tpu.matmul %mul3A_28, %get3A_31, %dot_general3A_32 {dimension_numbers = #tpu.dot_dimension_numbers<[1], [0], [0], [1], [0, 0, 1, 1], [], []>, transpose_lhs_hint = false} : vector<2000x128xf32>, vector<128x128xf32>, vector<2000x128xf32> -> vector<2000x128xf32>
    %slice3A_34 = vector.extract_strided_slice %get3A_1 {offsets = [0, 2], sizes = [2000, 3], strides = [1, 1]} : vector<2000x6xf32> to vector<2000x3xf32>
    %get3A_35 = arith.constant 0 : index
    %get3A_36 = arith.constant 0 : index
    %get3A_37 = vector.load %arg8[%get3A_35, %get3A_36] : memref<3x128xf32, #tpu.memory_space<vmem>>, vector<3x128xf32>
    %dot_general3A_38 = arith.constant dense<0.000000e+00> : vector<2000x128xf32>
    %dot_general3A_39 = tpu.matmul %slice3A_34, %get3A_37, %dot_general3A_38 {dimension_numbers = #tpu.dot_dimension_numbers<[1], [0], [0], [1], [0, 0, 1, 1], [], []>, transpose_lhs_hint = false} : vector<2000x3xf32>, vector<3x128xf32>, vector<2000x128xf32> -> vector<2000x128xf32>
    %add3A_40 = arith.addf %dot_general3A_33, %dot_general3A_39 : vector<2000x128xf32>
    %get3A_41 = arith.constant 0 : index
    %get3A_42 = arith.constant 0 : index
    %get3A_43 = vector.load %arg9[%get3A_41, %get3A_42] : memref<1x128xf32, #tpu.memory_space<vmem>>, vector<1x128xf32>
    %add3A_44 = vector.broadcast %get3A_43 : vector<1x128xf32> to vector<2000x128xf32>
    %add3A_45 = arith.addf %add3A_40, %add3A_44 : vector<2000x128xf32>
    %max3A_46 = arith.constant 0.000000e+00 : f32
    %max3A_47 = vector.broadcast %max3A_46 : f32 to vector<2000x128xf32>
    %max3A_48 = arith.maximumf %add3A_45, %max3A_47 : vector<2000x128xf32>
    %get3A_49 = arith.constant 0 : index
    %get3A_50 = arith.constant 0 : index
    %get3A_51 = vector.load %arg10[%get3A_49, %get3A_50] : memref<128x128xf32, #tpu.memory_space<vmem>>, vector<128x128xf32>
    %dot_general3A_52 = arith.constant dense<0.000000e+00> : vector<2000x128xf32>
    %dot_general3A_53 = tpu.matmul %max3A_48, %get3A_51, %dot_general3A_52 {dimension_numbers = #tpu.dot_dimension_numbers<[1], [0], [0], [1], [0, 0, 1, 1], [], []>, transpose_lhs_hint = false} : vector<2000x128xf32>, vector<128x128xf32>, vector<2000x128xf32> -> vector<2000x128xf32>
    %get3A_54 = arith.constant 0 : index
    %get3A_55 = arith.constant 0 : index
    %get3A_56 = vector.load %arg11[%get3A_54, %get3A_55] : memref<1x128xf32, #tpu.memory_space<vmem>>, vector<1x128xf32>
    %add3A_57 = vector.broadcast %get3A_56 : vector<1x128xf32> to vector<2000x128xf32>
    %add3A_58 = arith.addf %dot_general3A_53, %add3A_57 : vector<2000x128xf32>
    %convert_element_type3A = arith.truncf %add3A_58 : vector<2000x128xf32> to vector<2000x128xbf16>
    %swap3A = arith.constant 0 : index
    %swap3A_59 = arith.constant 0 : index
    %swap3A_60 = vector.load %arg12[%swap3A, %swap3A_59] : memref<2000x128xbf16, #tpu.memory_space<vmem>>, vector<2000x128xbf16>
    tpu.vector_store %arg12[%swap3A, %swap3A_59], %convert_element_type3A {strides = array<i32>} : memref<2000x128xbf16, #tpu.memory_space<vmem>>, vector<2000x128xbf16>,
    return
  }
  func.func @transform_0(%arg0: i32) -> (i32, i32) {
    %c0_i32 = arith.constant 0 : i32
    %c0_i32_0 = arith.constant 0 : i32
    return %arg0, %c0_i32 : i32, i32
  }
  func.func @transform_1(%arg0: i32) -> (i32, i32) {
    %c0_i32 = arith.constant 0 : i32
    %c0_i32_0 = arith.constant 0 : i32
    return %arg0, %c0_i32 : i32, i32
  }
  func.func @transform_2(%arg0: i32) -> (i32, i32) {
    %c0_i32 = arith.constant 0 : i32
    %c0_i32_0 = arith.constant 0 : i32
    %c0_i32_1 = arith.constant 0 : i32
    return %c0_i32, %c0_i32_0 : i32, i32
  }
  func.func @transform_3(%arg0: i32) -> (i32, i32) {
    %c0_i32 = arith.constant 0 : i32
    %c0_i32_0 = arith.constant 0 : i32
    %c0_i32_1 = arith.constant 0 : i32
    return %c0_i32, %c0_i32_0 : i32, i32
  }
  func.func @transform_4(%arg0: i32) -> (i32, i32) {
    %c0_i32 = arith.constant 0 : i32
    %c0_i32_0 = arith.constant 0 : i32
    %c0_i32_1 = arith.constant 0 : i32
    return %c0_i32, %c0_i32_0 : i32, i32
  }
  func.func @transform_5(%arg0: i32) -> (i32, i32) {
    %c0_i32 = arith.constant 0 : i32
    %c0_i32_0 = arith.constant 0 : i32
    %c0_i32_1 = arith.constant 0 : i32
    return %c0_i32, %c0_i32_0 : i32, i32
  }
  func.func @transform_6(%arg0: i32) -> (i32, i32) {
    %c0_i32 = arith.constant 0 : i32
    %c0_i32_0 = arith.constant 0 : i32
    %c0_i32_1 = arith.constant 0 : i32
    return %c0_i32, %c0_i32_0 : i32, i32
  }
  func.func @transform_7(%arg0: i32) -> (i32, i32) {
    %c0_i32 = arith.constant 0 : i32
    %c0_i32_0 = arith.constant 0 : i32
    %c0_i32_1 = arith.constant 0 : i32
    return %c0_i32, %c0_i32_0 : i32, i32
  }
  func.func @transform_8(%arg0: i32) -> (i32, i32) {
    %c0_i32 = arith.constant 0 : i32
    %c0_i32_0 = arith.constant 0 : i32
    %c0_i32_1 = arith.constant 0 : i32
    return %c0_i32, %c0_i32_0 : i32, i32
  }
  func.func @transform_9(%arg0: i32) -> (i32, i32) {
    %c0_i32 = arith.constant 0 : i32
    %c0_i32_0 = arith.constant 0 : i32
    %c0_i32_1 = arith.constant 0 : i32
    return %c0_i32, %c0_i32_0 : i32, i32
  }
  func.func @transform_10(%arg0: i32) -> (i32, i32) {
    %c0_i32 = arith.constant 0 : i32
    %c0_i32_0 = arith.constant 0 : i32
    %c0_i32_1 = arith.constant 0 : i32
    return %c0_i32, %c0_i32_0 : i32, i32
  }
  func.func @transform_11(%arg0: i32) -> (i32, i32) {
    %c0_i32 = arith.constant 0 : i32
    %c0_i32_0 = arith.constant 0 : i32
    return %arg0, %c0_i32 : i32, i32
  }
}

module attributes {stable_mosaic.version = 14 : i64} {
  func.func @_tc_scatter_body(%arg0: i32, %arg1: i32, %arg2: memref<1x1x4000xi32, #tpu.memory_space<vmem>>, %arg3: memref<4000x128xbf16, #tpu.memory_space<vmem>>, %arg4: memref<2000x128xf32, #tpu.memory_space<vmem>>, %arg5: memref<2000x8xf32, #tpu.memory_space<vmem>>) attributes {dimension_semantics = [#tpu.dimension_semantics<arbitrary>, #tpu.dimension_semantics<arbitrary>], iteration_bounds = array<i64: 5, 80>, scalar_prefetch = 0 : i64, scratch_operands = 0 : i64, tpu.core_type = #tpu.core_type<tc>, window_params = [{transform_indices = @transform_0, window_bounds = array<i64: 1, 1, 4000>}, {transform_indices = @transform_1, window_bounds = array<i64: 4000, 128>}, {transform_indices = @transform_2, window_bounds = array<i64: 2000, 128>}, {transform_indices = @transform_3, window_bounds = array<i64: 2000, 8>}]} {
    %eq3A = arith.constant 0 : i32
    %eq3A_0 = arith.cmpi eq, %arg1, %eq3A : i32
    %convert_element_type3A = arith.extui %eq3A_0 : i1 to i32
    %cond3A = arith.constant 0 : i32
    %cond3A_1 = arith.cmpi ne, %convert_element_type3A, %cond3A : i32
    scf.if %cond3A_1 {
      %broadcast_in_dim3A_34 = arith.constant 0.000000e+00 : f32
      %broadcast_in_dim3A_35 = vector.broadcast %broadcast_in_dim3A_34 : f32 to vector<2000x128xf32>
      %swap3A_36 = arith.constant 0 : index
      %swap3A_37 = arith.constant 0 : index
      %swap3A_38 = vector.load %arg4[%swap3A_36, %swap3A_37] : memref<2000x128xf32, #tpu.memory_space<vmem>>, vector<2000x128xf32>
      tpu.vector_store %arg4[%swap3A_36, %swap3A_37], %broadcast_in_dim3A_35 {strides = array<i32>} : memref<2000x128xf32, #tpu.memory_space<vmem>>, vector<2000x128xf32>,
      %broadcast_in_dim3A_39 = arith.constant 0.000000e+00 : f32
      %broadcast_in_dim3A_40 = vector.broadcast %broadcast_in_dim3A_39 : f32 to vector<2000x8xf32>
      %swap3A_41 = arith.constant 0 : index
      %swap3A_42 = arith.constant 0 : index
      %swap3A_43 = vector.load %arg5[%swap3A_41, %swap3A_42] : memref<2000x8xf32, #tpu.memory_space<vmem>>, vector<2000x8xf32>
      tpu.vector_store %arg5[%swap3A_41, %swap3A_42], %broadcast_in_dim3A_40 {strides = array<i32>} : memref<2000x8xf32, #tpu.memory_space<vmem>>, vector<2000x8xf32>,
    } else {
    }
    %get3A = arith.constant 0 : index
    %get3A_2 = arith.constant 0 : index
    %get3A_3 = arith.constant 0 : index
    %get3A_4 = vector.load %arg2[%get3A, %get3A_2, %get3A_3] : memref<1x1x4000xi32, #tpu.memory_space<vmem>>, vector<1x1x4000xi32>
    %get3A_5 = vector.shape_cast %get3A_4 : vector<1x1x4000xi32> to vector<4000xi32>
    %mul3A = arith.constant 2000 : i32
    %mul3A_6 = arith.muli %arg0, %mul3A : i32
    %iota3A = tpu.iota {dimensions = array<i32: 1>} : vector<4000x2000xi32>
    %add3A = vector.broadcast %mul3A_6 : i32 to vector<4000x2000xi32>
    %add3A_7 = arith.addi %add3A, %iota3A : vector<4000x2000xi32>
    %broadcast_in_dim3A = vector.shape_cast %get3A_5 : vector<4000xi32> to vector<4000x1xi32>
    %eq3A_8 = vector.broadcast %broadcast_in_dim3A : vector<4000x1xi32> to vector<4000x2000xi32>
    %eq3A_9 = arith.cmpi eq, %eq3A_8, %add3A_7 : vector<4000x2000xi32>
    %convert_element_type3A_10 = arith.extui %eq3A_9 : vector<4000x2000xi1> to vector<4000x2000xi32>
    %convert_element_type3A_11 = arith.sitofp %convert_element_type3A_10 : vector<4000x2000xi32> to vector<4000x2000xf32>
    %convert_element_type3A_12 = arith.truncf %convert_element_type3A_11 : vector<4000x2000xf32> to vector<4000x2000xbf16>
    %get3A_13 = arith.constant 0 : index
    %get3A_14 = arith.constant 0 : index
    %get3A_15 = vector.load %arg4[%get3A_13, %get3A_14] : memref<2000x128xf32, #tpu.memory_space<vmem>>, vector<2000x128xf32>
    %get3A_16 = arith.constant 0 : index
    %get3A_17 = arith.constant 0 : index
    %get3A_18 = vector.load %arg3[%get3A_16, %get3A_17] : memref<4000x128xbf16, #tpu.memory_space<vmem>>, vector<4000x128xbf16>
    %dot_general3A = arith.constant dense<0.000000e+00> : vector<2000x128xf32>
    %dot_general3A_19 = tpu.matmul %convert_element_type3A_12, %get3A_18, %dot_general3A {dimension_numbers = #tpu.dot_dimension_numbers<[0], [0], [1], [1], [0, 1, 1, 1], [], []>, transpose_lhs_hint = false} : vector<4000x2000xbf16>, vector<4000x128xbf16>, vector<2000x128xf32> -> vector<2000x128xf32>
    %add3A_20 = arith.addf %get3A_15, %dot_general3A_19 : vector<2000x128xf32>
    %swap3A = arith.constant 0 : index
    %swap3A_21 = arith.constant 0 : index
    %swap3A_22 = vector.load %arg4[%swap3A, %swap3A_21] : memref<2000x128xf32, #tpu.memory_space<vmem>>, vector<2000x128xf32>
    tpu.vector_store %arg4[%swap3A, %swap3A_21], %add3A_20 {strides = array<i32>} : memref<2000x128xf32, #tpu.memory_space<vmem>>, vector<2000x128xf32>,
    %get3A_23 = arith.constant 0 : index
    %get3A_24 = arith.constant 0 : index
    %get3A_25 = vector.load %arg5[%get3A_23, %get3A_24] : memref<2000x8xf32, #tpu.memory_space<vmem>>, vector<2000x8xf32>
    %broadcast_in_dim3A_26 = arith.constant 1.000000e+00 : bf16
    %broadcast_in_dim3A_27 = vector.broadcast %broadcast_in_dim3A_26 : bf16 to vector<4000x8xbf16>
    %dot_general3A_28 = arith.constant dense<0.000000e+00> : vector<2000x8xf32>
    %dot_general3A_29 = tpu.matmul %convert_element_type3A_12, %broadcast_in_dim3A_27, %dot_general3A_28 {dimension_numbers = #tpu.dot_dimension_numbers<[0], [0], [1], [1], [0, 1, 1, 1], [], []>, transpose_lhs_hint = false} : vector<4000x2000xbf16>, vector<4000x8xbf16>, vector<2000x8xf32> -> vector<2000x8xf32>
    %add3A_30 = arith.addf %get3A_25, %dot_general3A_29 : vector<2000x8xf32>
    %swap3A_31 = arith.constant 0 : index
    %swap3A_32 = arith.constant 0 : index
    %swap3A_33 = vector.load %arg5[%swap3A_31, %swap3A_32] : memref<2000x8xf32, #tpu.memory_space<vmem>>, vector<2000x8xf32>
    tpu.vector_store %arg5[%swap3A_31, %swap3A_32], %add3A_30 {strides = array<i32>} : memref<2000x8xf32, #tpu.memory_space<vmem>>, vector<2000x8xf32>,
    return
  }
  func.func @transform_0(%arg0: i32, %arg1: i32) -> (i32, i32, i32) {
    %c0_i32 = arith.constant 0 : i32
    %c0_i32_0 = arith.constant 0 : i32
    %c0_i32_1 = arith.constant 0 : i32
    return %arg1, %c0_i32, %c0_i32_0 : i32, i32, i32
  }
  func.func @transform_1(%arg0: i32, %arg1: i32) -> (i32, i32) {
    %c0_i32 = arith.constant 0 : i32
    %c0_i32_0 = arith.constant 0 : i32
    return %arg1, %c0_i32 : i32, i32
  }
  func.func @transform_2(%arg0: i32, %arg1: i32) -> (i32, i32) {
    %c0_i32 = arith.constant 0 : i32
    %c0_i32_0 = arith.constant 0 : i32
    return %arg0, %c0_i32 : i32, i32
  }
  func.func @transform_3(%arg0: i32, %arg1: i32) -> (i32, i32) {
    %c0_i32 = arith.constant 0 : i32
    %c0_i32_0 = arith.constant 0 : i32
    return %arg0, %c0_i32 : i32, i32
  }
}

module attributes {stable_mosaic.version = 14 : i64} {
  func.func @_final_body(%arg0: i32, %arg1: memref<2000x128xf32, #tpu.memory_space<vmem>>, %arg2: memref<2000x8xf32, #tpu.memory_space<vmem>>, %arg3: memref<1x128xf32, #tpu.memory_space<vmem>>, %arg4: memref<2000x128xf32, #tpu.memory_space<vmem>>) attributes {dimension_semantics = [#tpu.dimension_semantics<arbitrary>], iteration_bounds = array<i64: 5>, scalar_prefetch = 0 : i64, scratch_operands = 0 : i64, tpu.core_type = #tpu.core_type<tc>, window_params = [{transform_indices = @transform_0, window_bounds = array<i64: 2000, 128>}, {transform_indices = @transform_1, window_bounds = array<i64: 2000, 8>}, {pipeline_mode = #tpu.pipeline_mode<synchronous>, transform_indices = @transform_2, window_bounds = array<i64: 1, 128>}, {transform_indices = @transform_3, window_bounds = array<i64: 2000, 128>}]} {
    %get3A = arith.constant 0 : index
    %get3A_0 = arith.constant 0 : index
    %get3A_1 = vector.load %arg2[%get3A, %get3A_0] : memref<2000x8xf32, #tpu.memory_space<vmem>>, vector<2000x1xf32>
    %max3A = arith.constant 1.000000e+00 : f32
    %max3A_2 = vector.broadcast %max3A : f32 to vector<2000x1xf32>
    %max3A_3 = arith.maximumf %get3A_1, %max3A_2 : vector<2000x1xf32>
    %get3A_4 = arith.constant 0 : index
    %get3A_5 = arith.constant 0 : index
    %get3A_6 = vector.load %arg1[%get3A_4, %get3A_5] : memref<2000x128xf32, #tpu.memory_space<vmem>>, vector<2000x128xf32>
    %div3A = vector.broadcast %max3A_3 : vector<2000x1xf32> to vector<2000x128xf32>
    %div3A_7 = arith.divf %get3A_6, %div3A : vector<2000x128xf32>
    %get3A_8 = arith.constant 0 : index
    %get3A_9 = arith.constant 0 : index
    %get3A_10 = vector.load %arg3[%get3A_8, %get3A_9] : memref<1x128xf32, #tpu.memory_space<vmem>>, vector<1x128xf32>
    %add3A = vector.broadcast %get3A_10 : vector<1x128xf32> to vector<2000x128xf32>
    %add3A_11 = arith.addf %div3A_7, %add3A : vector<2000x128xf32>
    %max3A_12 = arith.constant 0.000000e+00 : f32
    %max3A_13 = vector.broadcast %max3A_12 : f32 to vector<2000x128xf32>
    %max3A_14 = arith.maximumf %add3A_11, %max3A_13 : vector<2000x128xf32>
    %swap3A = arith.constant 0 : index
    %swap3A_15 = arith.constant 0 : index
    %swap3A_16 = vector.load %arg4[%swap3A, %swap3A_15] : memref<2000x128xf32, #tpu.memory_space<vmem>>, vector<2000x128xf32>
    tpu.vector_store %arg4[%swap3A, %swap3A_15], %max3A_14 {strides = array<i32>} : memref<2000x128xf32, #tpu.memory_space<vmem>>, vector<2000x128xf32>,
    return
  }
  func.func @transform_0(%arg0: i32) -> (i32, i32) {
    %c0_i32 = arith.constant 0 : i32
    %c0_i32_0 = arith.constant 0 : i32
    return %arg0, %c0_i32 : i32, i32
  }
  func.func @transform_1(%arg0: i32) -> (i32, i32) {
    %c0_i32 = arith.constant 0 : i32
    %c0_i32_0 = arith.constant 0 : i32
    return %arg0, %c0_i32 : i32, i32
  }
  func.func @transform_2(%arg0: i32) -> (i32, i32) {
    %c0_i32 = arith.constant 0 : i32
    %c0_i32_0 = arith.constant 0 : i32
    %c0_i32_1 = arith.constant 0 : i32
    return %c0_i32, %c0_i32_0 : i32, i32
  }
  func.func @transform_3(%arg0: i32) -> (i32, i32) {
    %c0_i32 = arith.constant 0 : i32
    %c0_i32_0 = arith.constant 0 : i32
    return %arg0, %c0_i32 : i32, i32
  }
}

</mosaic_0001>

<sc_bundles>
// kernel: kernel.7.cloned.1.call-start
scs
__scs_entry_jumppad:
0x0: {  	(pc) =	sbr.rel $0x88, $3  }
0x1: {  	(tag) =	ssettag $0x0;
	lr =	simm.s32 $0x1  }
0x2: {  	[smem:$0x3F94] =	sst lr;
	_ =	strace $0xD0000000  }
0x3: {  	_ = 	snop  }
0x4: {  	_ = 	snop  }
0x5: {  	_ = 	snop  }
0x6: {  	_ = 	snop  }
0x7: {  	_ = 	snop  }
__scs_overlays_trampoline_lowered:
0x8: {  	[smem:$0x3FA3] =	sst s0  }
0x9: {  	[smem:$0x3FA4] =	sst s1  }
0xa: {  	[smem:$0x3FA5] =	sst s2  }
0xb: {  	[smem:$0x3FA6] =	sst s3  }
0xc: {  	[smem:$0x3FA7] =	sst s4  }
0xd: {  	[smem:$0x3FA8] =	sst s5  }
0xe: {  	[smem:$0x3FA9] =	sst s6  }
0xf: {  	[smem:$0x3FAA] =	sst s7  }
0x10: {  	[smem:$0x3FAB] =	sst s8  }
0x11: {  	[smem:$0x3FAC] =	sst s9;
	s0 =	simm.s32 @!p0 $0x0  }
0x12: {  	s1 =	sld [smem:$0x3F92];
	s0 =	simm.s32 @p0 $0x1  }
0x13: {  	[smem:$0x3FAD] =	sst s0;
	s0 =	simm.s32 @!p1 $0x0  }
0x14: {  	s2 =	sld [smem:$0x3F91];
	s0 =	simm.s32 @p1 $0x1  }
0x15: {  	[smem:$0x3FAE] =	sst s0;
	s0 =	simm.s32 @!p2 $0x0  }
0x16: {  	s3 =	sld [smem:$0x3FDB];
	s0 =	simm.s32 @p2 $0x1  }
0x17: {  	s4 =	simm.s32 $0x1BF5;
	[smem:$0x3FB0] =	sst s0  }
0x18: {  	s0 =	sld [smem:$0x3F93];
	_ =	swait.ge [sflag:s4], $0x0  }
0x19: {  	s7 =	sld [smem:$0x3F94]  }
0x1a: {  	s8 =	sadd.s32 $0xFFFFE003, lr  }
0x1b: {  	s9 =	sadd.s32 $0xFFFFFEF7, lr;
	s5 =	simm.s32 $0xFFFFFFFF;
	p2 =	slt.u32 s8, $0xFFFFF086  }
0x1c: {  	p1 =	slt.u32 s9, $0xF7A;
	s5 =	simm.s32 @!p2 $0x0  }
0x1d: {  	s5 =	simm.s32 @p1 $0x1;
	p0 =	seq.s32 s7, s2  }
0x1e: {  	s7 =	smul.u32 @!p0 $0xF7A, s2;
	p2 =	seq.s32 @!p0 s5, $0x0  }
0x1f: {  	s9 =	smul.u32 $0xF7A, s1;
	s8 =	simm.s32 @!p0 $0x1BF5;
	p2 =	por !p2, p0  }
0x20: {  	[sflag:s8] =	ssyncset.s32 @!p0 $0xFFFFF086;
	s6 =	sadd.s32 @!p0 s3, s7;
	s7 =	simm.s32 @!p0 $0x108  }
0x21: {  	s3 =	sadd.s32 s3, s9;
	s6 =	sadd.s32 @!p0 $0x88, s6;
	s7 =	simm.s32 @p2 $0x1082  }
0x22: {  	[simem:s7], [sflag:s8] =	dma.local @!p0 [hbm:s6], $0xF7A  }
0x23: {  	s9 =	sor.u32 $0xD0000000, s2;
	s6 =	simm.s32 $0x108;
	_ =	swait.ge @!p0 [sflag:s8], $0x0  }
0x24: {  	s3 =	sadd.s32 $0x88, s3;
	s6 =	simm.s32 @!p1 $0x1082;
	[sflag:s4] =	ssyncset.s32 $0xFFFFF086  }
0x25: {  	[simem:s6], [sflag:s4] =	dma.local [hbm:s3], $0xF7A  }
0x26: {  	[smem:$0x3F94] =	sst s1;
	(tag) =	ssettag s2;
	_ =	strace s9  }
0x27: {  	s1 =	sld [smem:$0x3FA4]  }
0x28: {  	s2 =	sld [smem:$0x3FA5]  }
0x29: {  	s4 =	sld [smem:$0x3FA7]  }
0x2a: {  	p0 =	seq.s32 s5, $0x0;
	s5 =	sld [smem:$0x3FA8]  }
0x2b: {  	s6 =	sld [smem:$0x3FA9]  }
0x2c: {  	s7 =	sld [smem:$0x3FAA]  }
0x2d: {  	s3 =	simm.s32 $0x108;
	s8 =	sld [smem:$0x3FAB]  }
0x2e: {  	s3 =	simm.s32 @!p0 $0x1082;
	s9 =	sld [smem:$0x3FAC]  }
0x2f: {  	lr =	sadd.s32 s0, s3;
	s0 =	sld [smem:$0x3FA3]  }
0x30: {  	s3 =	sld [smem:$0x3FA6]  }
0x31: {  	[smem:$0x3FAF] =	sst s10  }
0x32: {  	s10 =	sld [smem:$0x3FAD];
	_ =	sdelay $0x3  }
0x33: {  	p0 =	seq.s32 s10, $0x1;
	s10 =	sld [smem:$0x3FAF];
	_ =	sdelay $0x3  }
0x34: {  	[smem:$0x3FAF] =	sst s10  }
0x35: {  	s10 =	sld [smem:$0x3FAE];
	_ =	sdelay $0x3  }
0x36: {  	p1 =	seq.s32 s10, $0x1;
	s10 =	sld [smem:$0x3FAF];
	_ =	sdelay $0x3  }
0x37: {  	[smem:$0x3FAF] =	sst s10  }
0x38: {  	s10 =	sld [smem:$0x3FB0]  }
0x39: {  	_ = 	snop;
	(pc) =	sbr.ind lr, $3  }
0x3a: {  	_ = 	snop  }
0x3b: {  	_ = 	snop  }
0x3c: {  	p2 =	seq.s32 s10, $0x1;
	s10 =	sld [smem:$0x3FAF]  }
0x3d: {  	_ =	shalt  }
0x3e: {  	_ =	shalt  }
0x3f: {  	_ =	shalt  }
0x40: {  	_ =	shalt  }
0x41: {  	_ =	shalt  }
0x42: {  	_ =	shalt  }
0x43: {  	_ =	shalt  }
0x44: {  	_ =	shalt  }
0x45: {  	_ =	shalt  }
0x46: {  	_ =	shalt  }
0x47: {  	_ =	shalt  }
0x48: {  	_ =	shalt  }
0x49: {  	_ =	shalt  }
0x4a: {  	_ =	shalt  }
0x4b: {  	_ =	shalt  }
0x4c: {  	_ =	shalt  }
0x4d: {  	_ =	shalt  }
0x4e: {  	_ =	shalt  }
0x4f: {  	_ =	shalt  }
0x50: {  	_ =	shalt  }
0x51: {  	_ =	shalt  }
0x52: {  	_ =	shalt  }
0x53: {  	_ =	shalt  }
0x54: {  	_ =	shalt  }
0x55: {  	_ =	shalt  }
0x56: {  	_ =	shalt  }
0x57: {  	_ =	shalt  }
0x58: {  	_ =	shalt  }
0x59: {  	_ =	shalt  }
0x5a: {  	_ =	shalt  }
0x5b: {  	_ =	shalt  }
0x5c: {  	_ =	shalt  }
0x5d: {  	_ =	shalt  }
0x5e: {  	_ =	shalt  }
0x5f: {  	_ =	shalt  }
0x60: {  	_ =	shalt  }
0x61: {  	_ =	shalt  }
0x62: {  	_ =	shalt  }
0x63: {  	_ =	shalt  }
0x64: {  	_ =	shalt  }
0x65: {  	_ =	shalt  }
0x66: {  	_ =	shalt  }
0x67: {  	_ =	shalt  }
0x68: {  	_ =	shalt  }
0x69: {  	_ =	shalt  }
0x6a: {  	_ =	shalt  }
0x6b: {  	_ =	shalt  }
0x6c: {  	_ =	shalt  }
0x6d: {  	_ =	shalt  }
0x6e: {  	_ =	shalt  }
0x6f: {  	_ =	shalt  }
0x70: {  	_ =	shalt  }
0x71: {  	_ =	shalt  }
0x72: {  	_ =	shalt  }
0x73: {  	_ =	shalt  }
0x74: {  	_ =	shalt  }
0x75: {  	_ =	shalt  }
0x76: {  	_ =	shalt  }
0x77: {  	_ =	shalt  }
0x78: {  	_ =	shalt  }
0x79: {  	_ =	shalt  }
0x7a: {  	_ =	shalt  }
0x7b: {  	_ =	shalt  }
0x7c: {  	_ =	shalt  }
0x7d: {  	_ =	shalt  }
0x7e: {  	_ =	shalt  }
0x7f: {  	_ =	shalt  }
0x80: {  	_ =	shalt  }
0x81: {  	_ =	shalt  }
0x82: {  	_ =	shalt  }
0x83: {  	_ =	shalt  }
0x84: {  	_ =	shalt  }
0x85: {  	_ =	shalt  }
0x86: {  	_ =	shalt  }
0x87: {  	_ =	shalt  }
.Lfunc_end0:
.L_simem_size_0:
called_computation_lowered:
.L_overlay_start_0:
0x88: {  	s2 =	sld [smem:$0x3FD9]  }
0x89: {  	s3 =	sld [smem:$0x3FFE];
	_ =	sdelay $0x1  }
0x8a: {  	s1 =	srdreg.scid  }
0x8b: {  	s0 =	sand.u32 $0x1, s1  }
0x8c: {  	s17 =	sshll.u32 s0, $0xA;
	s2 =	sadd.s32 s3, s2  }
0x8d: {  	s2 =	sadd.s32 s2, s17  }
0x8e: {  	[smem:$0x3FBB] =	sst s2  }
0x8f: {  	_ = 	snop  }
0x90: {  	s2 =	sld [smem:$0x3FD0];
	(tm) =	ssettm $0x1  }
0x91: {  	s18 =	sld [smem:$0x3FFB];
	_ =	sdelay $0x3  }
0x92: {  	_ =	strace s18  }
0x93: {  	s3 =	sld [smem:$0x3FFC];
	_ =	sdelay $0x3  }
0x94: {  	_ =	strace s3  }
0x95: {  	s3 =	sld [smem:$0x3FFD];
	_ =	sdelay $0x3  }
0x96: {  	_ =	strace s3  }
0x97: {  	_ =	strace $0x8FFFFFFF  }
0x98: {  	s19 =	sld [smem:$0x3FDB];
	_ =	sdelay $0x1  }
0x99: {  	s4 =	simm.s32 $_scs_section_size  }
0x9a: {  	s5 =	simm.s32 $_size__tile_overlayer_lowered;
	s6 =	simm.s32 $_tile_overlayer_lowered  }
0x9b: {  	s22 =	simm.s32 $0x1BFF;
	s21 =	sshll.u32 s6, $0x1;
	s3 =	sadd.s32 s4, s19  }
0x9c: {  	s7 =	simm.s32 $0x0;
	s20 =	sshll.u32 s5, $0x1;
	s5 =	sadd.s32 s21, s3  }
0x9d: {  	[timem:s7], [sflag:s22] =	dma.local [hbm:s5], s20  }
0x9e: {  	_ =	swait.ge [sflag:s22], s20  }
0x9f: {  	s4 =	ssub.s32 $0x0, s20;
	[sflag:s22] =	ssyncset.done $0x0  }
0xa0: {  	[sflag:s22] =	ssyncadd.s32 s4;
	_ =	sdelay $0x1  }
0xa1: {  	s23 =	simm.s32 $0x1B8B  }
0xa2: {  	_ =	swait.ge [sflag:s23], $0x1  }
0xa3: {  	[sflag:s23] =	ssyncset.done $0x0  }
0xa4: {  	s25 =	simm.s32 $0x1B8E;
	s24 =	sld [smem:$0x3FFE];
	[sflag:s23] =	ssyncadd.s32 $0xFFFFFFFF  }
0xa5: {  	s26 =	simm.s32 $execute0_lowered;
	[smem:$0x3FD2] =	sst s25  }
0xa6: {  	s5 =	sshll.u32 s26, $0x1;
	_ =	strace $0x80000046;
	[dreg:$0x1] =	wrdreg $0xFFFFFFFF  }
0xa7: {  	s28 =	simm.s32 $_size_execute0_lowered;
	s3 =	sadd.s32 s3, s5;
	[dreg:$0x0] =	wrdreg $0x0  }
0xa8: {  	s5 =	sshll.u32 s28, $0x1;
	[dreg:$0x2] =	wrdreg s3  }
0xa9: {  	[dreg:$0x3] =	wrdreg s5  }
0xaa: {  	[dreg:$0x4] =	wrdreg $0xC0  }
0xab: {  	_ =	task [dreg:s7], $0x5FFFF  }
0xac: {  	[dreg:$0x1] =	wrdreg $0xFFFFFFFF  }
0xad: {  	[dreg:$0x0] =	wrdreg $0x60  }
0xae: {  	[dreg:$0x2] =	wrdreg s2  }
0xaf: {  	[dreg:$0x3] =	wrdreg s24  }
0xb0: {  	[dreg:$0x4] =	wrdreg $0x9  }
0xb1: {  	_ =	task.clear_ibuf [dreg:s7], $0x5FFFF;
	_ =	strace $0x90000046  }
0xb2: {  	s29 =	simm.s32 $0x9;
	_ =	strace $0x80000048  }
0xb3: {  	_ =	swait.ge [sflag:s29], $0x1  }
0xb4: {  	[sflag:s29] =	ssyncadd.s32 $0xFFFFFFFF  }
0xb5: {  	_ =	strace $0x90000048  }
0xb6: {  	_ =	sfence  }
0xb7: {  	s30 =	sld [smem:$0x0];
	_ =	sdelay $0x2  }
0xb8: {  	s31 =	sshll.u32 s1, $0xD;
	s1 =	sshrl.u32 s1, $0x2  }
0xb9: {  	s3 =	sand.u32 $0x4000, s31;
	s1 =	sadd.s32 s1, s30  }
0xba: {  	s0 =	sor.u32 s3, s0;
	s1 =	sshll.u32 s1, $0x11  }
0xbb: {  	s0 =	sor.u32 s1, s0  }
0xbc: {  	s0 =	sadd.s32 $0x8F2B, s0  }
0xbd: {  	[sflag:s0] =	ssyncadd.remote.s32 $0x1  }
0xbe: {  	_ =	sfence.sel $0xFFFF  }
0xbf: {  	[dreg:$0x0] =	wrdreg $0xFFFFFFFF;
	(pc) =	sbr.abs _section_cstart, $3  }
0xc0: {  	[dreg:$0x1] =	wrdreg $0xFFFFFFFF  }
0xc1: {  	_ =	task.clear_ibuf [dreg:s7], $0x2FFFF;
	_ =	strace $0x9FFFFFFF  }
0xc2: {  	(tm) =	ssettm $0x7FFFFFFF  }
0xc3: {  	_ =	shalt  }
tec
execute0_lowered:
.L_overlay_start_1:
0x0: {  	(tag) =	ssettag $0x1  }
0x1: {  	s2 =	rddreg [dreg:$0x0];
	s0 =	srdreg.scid  }
0x2: {  	s4 =	rddreg [dreg:$0x1];
	s1 =	stileid.u32;
	s3 =	simm.s32 $0x0  }
0x3: {  	s10 =	simm.s32 $0x1;
	s5 =	sand.u32 $0x1, s0;
	s7 =	smul.u32 $0x2710, s1  }
0x4: {  	s11 =	simm.s32 $0x0;
	s0 =	rddreg [dreg:$0x2];
	s6 =	smul.u32 $0x27100, s5  }
0x5: {  	[smem:$0x7FF] =	sst s3;
	s8 =	smul.u32 $0x271000, s5;
	s5 =	ssub.s32 $0x2, s5  }
0x6: {  	s9 =	smul.u32 $0x27100, s1;
	_ =	strace $0x80000047;
	s31 =	sshrl.u32 s5, $0x1  }
0x7: {  	s6 =	sadd.s32 s7, s6;
	s30 =	sadd.s32 s8, s4;
	s5 =	ssub.s32 s5, s31  }
0x8: {  	s8 =	simm.s32 $0x50;
	s6 =	sshrl.u32 s6, $0x3;
	s7 =	sadd.s32 s9, s30  }
0x9: {  	s9 =	simm.s32 $0x80;
	s6 =	sadd.s32 s6, s4;
	s4 =	smax.u32 s5, $0x1  }
0xa: {  	s5 =	sadd.s32 $0x15400, s7;
	s7 =	simm.s32 $0x2;
	s6 =	sadd.s32 $0xB600, s6  }
.LBB2_1:
0xb: {  	s12 =	sadd.s32 $0x0, s6  }
0xc: {  	[tilespmem:s3], [sflag:$0x2] =	stream.linear.gather [hbm4b:s12+s3], $0x50, $0x38;
	[tilespmem:$0x2880] =	vst v63  }
0xd: {  	_ =	swait.ge [sflag:s7], $0x50  }
0xe: {  	[sflag:s7] =	ssyncset.done $0x0  }
0xf: {  	[sflag:s7] =	ssyncadd.s32 $0xFFFFFFB0  }
0x10: {  	[tilespmem:s9], [sflag:$0x1] =	stream.indirect.gather [hbm4b:s2+s8], $0x80, s3, s8, $0xb8;
	[tilespmem:$0x2880] =	vst v63  }
0x11: {  	_ =	swait.ge [sflag:s10], $0x2800  }
0x12: {  	[sflag:s10] =	ssyncset.done $0x0  }
0x13: {  	[sflag:s10] =	ssyncadd.s32 $0xFFFFD800  }
0x14: {  	[hbm4b:s5+s3] =	stream.linear.scatter [tilespmem:s9], [sflag:$0x2], $0x2800, $0x38;
	[tilespmem:$0x2880] =	vst v63  }
0x15: {  	s13 =	simm.s32 $0xA;
	_ =	swait.ge [sflag:s7], $0x2800  }
0x16: {  	s14 =	simm.s32 $0x14;
	s12 =	sadd.s32 $0x500, s5;
	[sflag:s7] =	ssyncset.done $0x0  }
.LBB2_2:
0x17: {  	s15 =	sadd.s32 s13, s6  }
0x18: {  	[sflag:s7] =	ssyncadd.s32 $0xFFFFD800;
	s13 =	smov.u32 s14;
	s16 =	sadd.s32 $0xA, s14  }
0x19: {  	[tilespmem:s3], [sflag:$0x2] =	stream.linear.gather [hbm4b:s15+s3], $0x50, $0x38;
	[tilespmem:$0x2880] =	vst v63  }
0x1a: {  	p0 =	sne.s32 s14, $0x4D8;
	_ =	swait.ge [sflag:s7], $0x50  }
0x1b: {  	[sflag:s7] =	ssyncset.done $0x0  }
0x1c: {  	[sflag:s7] =	ssyncadd.s32 $0xFFFFFFB0  }
0x1d: {  	[tilespmem:s9], [sflag:$0x1] =	stream.indirect.gather [hbm4b:s2+s8], $0x80, s3, s8, $0xb8;
	[tilespmem:$0x2880] =	vst v63  }
0x1e: {  	_ =	swait.ge [sflag:s10], $0x2800  }
.Ltmp0:
0x1f: {  	[sflag:s10] =	ssyncset.done $0x0;
	(pc) =	sbr.rel @p0 .LBB2_2-.Ltmp0, $4  }
0x20: {  	[sflag:s10] =	ssyncadd.s32 $0xFFFFD800  }
0x21: {  	[hbm4b:s12+s3] =	stream.linear.scatter [tilespmem:s9], [sflag:$0x2], $0x2800, $0x38;
	[tilespmem:$0x2880] =	vst v63  }
0x22: {  	_ =	swait.ge [sflag:s7], $0x2800  }
0x23: {  	s14 =	smov.u32 s16;
	s12 =	sadd.s32 $0x500, s12;
	[sflag:s7] =	ssyncset.done $0x0  }
0x24: {  	s13 =	sadd.s32 s13, s6;
	[sflag:s7] =	ssyncadd.s32 $0xFFFFD800  }
0x25: {  	[tilespmem:s3], [sflag:$0x2] =	stream.linear.gather [hbm4b:s13+s3], $0x50, $0x38;
	[tilespmem:$0x2880] =	vst v63  }
0x26: {  	_ =	swait.ge [sflag:s7], $0x50  }
0x27: {  	[sflag:s7] =	ssyncset.done $0x0  }
0x28: {  	[sflag:s7] =	ssyncadd.s32 $0xFFFFFFB0  }
0x29: {  	[tilespmem:s9], [sflag:$0x1] =	stream.indirect.gather [hbm4b:s2+s8], $0x80, s3, s8, $0xb8;
	[tilespmem:$0x2880] =	vst v63  }
0x2a: {  	s11 =	sadd.s32 $0x1, s11;
	_ =	swait.ge [sflag:s10], $0x2800  }
0x2b: {  	p0 =	sne.s32 s11, s4;
	[sflag:s10] =	ssyncset.done $0x0  }
.Ltmp1:
0x2c: {  	[sflag:s10] =	ssyncadd.s32 $0xFFFFD800;
	(pc) =	sbr.rel @p0 .LBB2_1-.Ltmp1, $4  }
0x2d: {  	[hbm4b:s12+s3] =	stream.linear.scatter [tilespmem:s9], [sflag:$0x2], $0x2800, $0x38;
	[tilespmem:$0x2880] =	vst v63  }
0x2e: {  	_ =	swait.ge [sflag:s7], $0x2800  }
0x2f: {  	[sflag:s7] =	ssyncset.done $0x0  }
0x30: {  	[sflag:s7] =	ssyncadd.s32 $0xFFFFD800  }
0x31: {  	_ =	sfence.sel $0x180000  }
0x32: {  	[bflag:$0x0] =	sbarrier.arrive $0xFFFF  }
0x33: {  	p0 =	sne.s32 s1, $0x0;
	_ =	strace $0x90000047  }
0x34: {  	s0 =	sadd.s32 @!p0 $0x100000, s0;
	[bflag:$0x2] =	sbarrier.arrive $0xFFFF  }
0x35: {  	[sflag:s0] =	ssyncadd.tile.s32 @!p0 $0x1;
	_ =	shalt  }
.Lfunc_end2:
_tile_overlayer_lowered:
.L_overlay_start_2:
0x36: {  	(tag) =	ssettag $0x2  }
0x37: {  	s0 =	rddreg [dreg:$0x0];
	s2 =	stileid.u32  }
0x38: {  	s1 =	rddreg [dreg:$0x1];
	p0 =	sne.s32 s2, $0x0  }
0x39: {  	s3 =	rddreg [dreg:$0x2];
	[bflag:$0x3] =	sbarrier.arrive $0xFFFF;
	s2 =	simm.s32 @!p0 $0x1C02  }
0x3a: {  	[timem:s3], [sflag:s2] =	dma.local @!p0 [hbm:s0], s1  }
0x3b: {  	s0 =	simm.s32 @!p0 $0x2  }
0x3c: {  	_ =	swait.ge @!p0 [sflag:s0], s1  }
0x3d: {  	s1 =	ssub.s32 @!p0 $0x0, s1;
	[sflag:s0] =	ssyncset.done @!p0 $0x0  }
0x3e: {  	[sflag:s0] =	ssyncadd.s32 @!p0 s1  }
0x3f: {  	[bflag:$0x3] =	sbarrier.arrive $0xFFFF  }
0x40: {  	_ =	shalt  }

</sc_bundles>
